<compile_context>
chip_gen: v7x
topology: tpu7x:2x2x1
jax: 0.10.2.dev20260603
libtpu: 0.0.44.dev20260713+nightly
codegen_flags: <defaults>
</compile_context>

<pallas_src>
import functools

import jax
import jax.numpy as jnp
from jax import lax
from jax.experimental import pallas as pl
from jax.experimental.pallas import tpu as pltpu
from jax.experimental.pallas import tpu_sc as plsc

B = 4096
D = 64
ALPHA = 0.1

_INFO = plsc.get_sparse_core_info()
_NC = _INFO.num_cores
_NS = _INFO.num_subcores
_NW = _NC * _NS
_BPW = B // _NW


def _gather_body(user_idx, item_idx, u_table, i_table, i_bias,
                 user_out, item_out, bias_out,
                 idx_u, idx_i, urows, irows, brow, sem):
    wid = lax.axis_index("s") * _NC + lax.axis_index("c")
    base = wid * _BPW
    pltpu.sync_copy(user_idx.at[pl.ds(base, _BPW)], idx_u)
    pltpu.sync_copy(item_idx.at[pl.ds(base, _BPW)], idx_i)
    cu = pltpu.async_copy(u_table.at[idx_u], urows, sem)
    ci = pltpu.async_copy(i_table.at[idx_i], irows, sem)
    cb = pltpu.async_copy(i_bias.at[idx_i], brow, sem)
    cu.wait()
    ci.wait()
    cb.wait()
    pltpu.sync_copy(urows, user_out.at[pl.ds(base, _BPW)])
    pltpu.sync_copy(irows, item_out.at[pl.ds(base, _BPW)])
    pltpu.sync_copy(brow, bias_out.at[pl.ds(base, _BPW)])


_gather_call = functools.partial(
    pl.kernel,
    out_type=[
        jax.ShapeDtypeStruct((B, D), jnp.float32),
        jax.ShapeDtypeStruct((B, D), jnp.float32),
        jax.ShapeDtypeStruct((B,), jnp.float32),
    ],
    mesh=plsc.VectorSubcoreMesh(core_axis_name="c", subcore_axis_name="s"),
    compiler_params=pltpu.CompilerParams(use_tc_tiling_on_sc=False),
    scratch_types=[
        pltpu.VMEM((_BPW,), jnp.int32),
        pltpu.VMEM((_BPW,), jnp.int32),
        pltpu.VMEM((_BPW, D), jnp.float32),
        pltpu.VMEM((_BPW, D), jnp.float32),
        pltpu.VMEM((_BPW,), jnp.float32),
        pltpu.SemaphoreType.DMA,
    ],
)(_gather_body)


def _loss_body(uv_ref, iv_ref, bias_ref, label_ref, out_ref):
    uv = uv_ref[...]
    iv = iv_ref[...]
    bias = bias_ref[...]
    t = label_ref[...]
    s = jnp.sum(iv, axis=0, keepdims=True)
    pre = jnp.sum(uv * s, axis=1, keepdims=True) + bias
    bce = jnp.mean(jnp.maximum(pre, 0.0) - pre * t
                   + jnp.log1p(jnp.exp(-jnp.abs(pre))))
    reg = (jnp.sqrt(jnp.sum(iv * iv)) + jnp.sqrt(jnp.sum(uv * uv))
           + jnp.sqrt(jnp.sum(bias * bias)))
    out_ref[...] = jnp.broadcast_to(bce + ALPHA * reg, (1, 1))


def kernel(user, item, label, u_table, i_table, i_bias):
    user_v, item_v, bias_g = _gather_call(user, item, u_table, i_table, i_bias)
    loss = pl.pallas_call(
        _loss_body,
        out_shape=jax.ShapeDtypeStruct((1, 1), jnp.float32),
    )(user_v, item_v, bias_g.reshape(B, 1), label.reshape(B, 1))
    return loss[0, 0]

# --- scband reference (transcript-rebuilt; emitter-appended) ---
"""Pipeline reference for scband-discriminator-87875030876274 (READ-ONLY COPY).

The authoritative reference and input builder live on the scoring server;
editing this copy changes nothing except your own understanding.
"""

import jax, jax.numpy as jnp
import numpy as np

USER_NUM = 100000
ITEM_NUM = 100000
EMB_DIM = 64
BATCH = 4096
ALPHA = 0.1


def setup_inputs(seed: int = 0) -> dict:
    key = jax.random.key(seed)
    k1, k2, k3, k4, k5, k6 = jax.random.split(key, 6)
    user = jax.random.randint(k1, (BATCH,), 0, USER_NUM, dtype=jnp.int64 if jax.config.jax_enable_x64 else jnp.int32).astype(jnp.int32)
    item = jax.random.randint(k2, (BATCH,), 0, ITEM_NUM).astype(jnp.int32)
    label = jax.random.uniform(k3, (BATCH,), dtype=jnp.float32)
    u_table = jax.random.normal(k4, (USER_NUM, EMB_DIM), dtype=jnp.float32)
    i_table = jax.random.normal(k5, (ITEM_NUM, EMB_DIM), dtype=jnp.float32)
    i_bias = jax.random.uniform(k6, (ITEM_NUM,), dtype=jnp.float32, minval=-1.0, maxval=1.0)
    return {"user": user, "item": item, "label": label, "u_table": u_table, "i_table": i_table, "i_bias": i_bias}


def _bce_with_logits(logits, targets):
    # matches torch.nn.functional.binary_cross_entropy_with_logits (mean reduction)
    return jnp.mean(jnp.maximum(logits, 0.0) - logits * targets + jnp.log1p(jnp.exp(-jnp.abs(logits))))


def reference(user, item, label, u_table, i_table, i_bias):
    item_v = jnp.take(i_table, item, axis=0)          # [B, d] gather
    user_v = jnp.take(u_table, user, axis=0)          # [B, d] gather
    ibias = jnp.take(i_bias, item, axis=0)            # [B] gather
    pre_logits = jnp.sum(user_v @ item_v.T, axis=1) + ibias  # [B]
    loss = _bce_with_logits(pre_logits, label) + ALPHA * (
        jnp.linalg.norm(item_v) + jnp.linalg.norm(user_v) + jnp.linalg.norm(ibias)
    )
    return loss

if __name__ == "__main__":
    import jax
    _d = setup_inputs()
    print(jax.jit(kernel)(*tuple(_d.values())))

</pallas_src>

<mosaic_0001>
#map = affine_map<(d0, d1) -> (0)>
#map1 = affine_map<(d0, d1) -> (0, 0)>
module attributes {stable_mosaic.version = 14 : i64} {
  func.func @_gather_body(%arg0: i32, %arg1: i32, %arg2: memref<4096xi32, #tpu.memory_space<hbm>>, %arg3: memref<4096xi32, #tpu.memory_space<hbm>>, %arg4: memref<100000x64xf32, #tpu.memory_space<hbm>>, %arg5: memref<100000x64xf32, #tpu.memory_space<hbm>>, %arg6: memref<100000xf32, #tpu.memory_space<hbm>>, %arg7: memref<4096x64xf32, #tpu.memory_space<hbm>>, %arg8: memref<4096x64xf32, #tpu.memory_space<hbm>>, %arg9: memref<4096xf32, #tpu.memory_space<hbm>>, %arg10: memref<128xi32, #tpu.memory_space<vmem>>, %arg11: memref<128xi32, #tpu.memory_space<vmem>>, %arg12: memref<128x64xf32, #tpu.memory_space<vmem>>, %arg13: memref<128x64xf32, #tpu.memory_space<vmem>>, %arg14: memref<128xf32, #tpu.memory_space<vmem>>, %arg15: memref<!tpu.dma_semaphore, #tpu.memory_space<semaphore_mem>>) attributes {dimension_semantics = [#tpu.dimension_semantics<core_parallel>, #tpu.dimension_semantics<subcore_parallel>], iteration_bounds = array<i64: 2, 16>, scalar_prefetch = 0 : i64, scratch_operands = 6 : i64, tpu.core_type = #tpu.core_type<sc_vector_subcore>, window_params = [{transform_indices = #map}, {transform_indices = #map}, {transform_indices = #map1}, {transform_indices = #map1}, {transform_indices = #map}, {transform_indices = #map1}, {transform_indices = #map1}, {transform_indices = #map}]} {
    %mul3A = arith.constant 2 : i32
    %mul3A_0 = arith.muli %arg1, %mul3A : i32
    %add3A = arith.addi %mul3A_0, %arg0 : i32
    %mul3A_1 = arith.constant 128 : i32
    %mul3A_2 = arith.muli %add3A, %mul3A_1 : i32
    "tpu.region"() ({
      %run_scoped3A = tpu.sem_alloc : memref<!tpu.dma_semaphore, #tpu.memory_space<semaphore_mem>>
      %dma_start3A_17 = tpu.memref_slice %arg2[%mul3A_2] : memref<4096xi32, #tpu.memory_space<hbm>> -> memref<128xi32, #tpu.memory_space<hbm>>
      %dma_start3A_18 = tpu.memref_slice %arg2[%mul3A_2] : memref<4096xi32, #tpu.memory_space<hbm>> -> memref<128xi32, #tpu.memory_space<hbm>>
      tpu.enqueue_dma source(%dma_start3A_18 : memref<128xi32, #tpu.memory_space<hbm>>) target(%arg10 : memref<128xi32, #tpu.memory_space<vmem>>) target_semaphore(%run_scoped3A : memref<!tpu.dma_semaphore, #tpu.memory_space<semaphore_mem>>)
      %dma_wait3A_19 = tpu.memref_slice %arg2[%mul3A_2] : memref<4096xi32, #tpu.memory_space<hbm>> -> memref<128xi32, #tpu.memory_space<hbm>>
      %dma_wait3A_20 = tpu.memref_slice %arg2[%mul3A_2] : memref<4096xi32, #tpu.memory_space<hbm>> -> memref<128xi32, #tpu.memory_space<hbm>>
      tpu.wait_dma2 semaphore(%run_scoped3A : memref<!tpu.dma_semaphore, #tpu.memory_space<semaphore_mem>>) src(%dma_wait3A_20 : memref<128xi32, #tpu.memory_space<hbm>>) dst(%arg10 : memref<128xi32, #tpu.memory_space<vmem>>)
      tpu.yield
    }) : () -> ()
    "tpu.region"() ({
      %run_scoped3A = tpu.sem_alloc : memref<!tpu.dma_semaphore, #tpu.memory_space<semaphore_mem>>
      %dma_start3A_17 = tpu.memref_slice %arg3[%mul3A_2] : memref<4096xi32, #tpu.memory_space<hbm>> -> memref<128xi32, #tpu.memory_space<hbm>>
      %dma_start3A_18 = tpu.memref_slice %arg3[%mul3A_2] : memref<4096xi32, #tpu.memory_space<hbm>> -> memref<128xi32, #tpu.memory_space<hbm>>
      tpu.enqueue_dma source(%dma_start3A_18 : memref<128xi32, #tpu.memory_space<hbm>>) target(%arg11 : memref<128xi32, #tpu.memory_space<vmem>>) target_semaphore(%run_scoped3A : memref<!tpu.dma_semaphore, #tpu.memory_space<semaphore_mem>>)
      %dma_wait3A_19 = tpu.memref_slice %arg3[%mul3A_2] : memref<4096xi32, #tpu.memory_space<hbm>> -> memref<128xi32, #tpu.memory_space<hbm>>
      %dma_wait3A_20 = tpu.memref_slice %arg3[%mul3A_2] : memref<4096xi32, #tpu.memory_space<hbm>> -> memref<128xi32, #tpu.memory_space<hbm>>
      tpu.wait_dma2 semaphore(%run_scoped3A : memref<!tpu.dma_semaphore, #tpu.memory_space<semaphore_mem>>) src(%dma_wait3A_20 : memref<128xi32, #tpu.memory_space<hbm>>) dst(%arg11 : memref<128xi32, #tpu.memory_space<vmem>>)
      tpu.yield
    }) : () -> ()
    %dma_start3A = arith.constant 0 : i32
    %dma_start3A_3 = arith.constant 0 : i32
    %dma_start3A_4 = tpu.memref_slice %arg4[%dma_start3A, %dma_start3A_3] : memref<100000x64xf32, #tpu.memory_space<hbm>> -> memref<100000x64xf32, #tpu.memory_space<hbm>>
    tpu.enqueue_indirect_dma source(%dma_start3A_4 : memref<100000x64xf32, #tpu.memory_space<hbm>>) target(%arg12 : memref<128x64xf32, #tpu.memory_space<vmem>>) offsets(%arg10 : memref<128xi32, #tpu.memory_space<vmem>>) semaphore(%arg15 : memref<!tpu.dma_semaphore, #tpu.memory_space<semaphore_mem>>)
    %dma_start3A_5 = arith.constant 0 : i32
    %dma_start3A_6 = arith.constant 0 : i32
    %dma_start3A_7 = tpu.memref_slice %arg5[%dma_start3A_5, %dma_start3A_6] : memref<100000x64xf32, #tpu.memory_space<hbm>> -> memref<100000x64xf32, #tpu.memory_space<hbm>>
    tpu.enqueue_indirect_dma source(%dma_start3A_7 : memref<100000x64xf32, #tpu.memory_space<hbm>>) target(%arg13 : memref<128x64xf32, #tpu.memory_space<vmem>>) offsets(%arg11 : memref<128xi32, #tpu.memory_space<vmem>>) semaphore(%arg15 : memref<!tpu.dma_semaphore, #tpu.memory_space<semaphore_mem>>)
    %dma_start3A_8 = arith.constant 0 : i32
    %dma_start3A_9 = tpu.memref_slice %arg6[%dma_start3A_8] : memref<100000xf32, #tpu.memory_space<hbm>> -> memref<100000xf32, #tpu.memory_space<hbm>>
    tpu.enqueue_indirect_dma source(%dma_start3A_9 : memref<100000xf32, #tpu.memory_space<hbm>>) target(%arg14 : memref<128xf32, #tpu.memory_space<vmem>>) offsets(%arg11 : memref<128xi32, #tpu.memory_space<vmem>>) semaphore(%arg15 : memref<!tpu.dma_semaphore, #tpu.memory_space<semaphore_mem>>)
    %dma_wait3A = arith.constant 0 : i32
    %dma_wait3A_10 = arith.constant 0 : i32
    %dma_wait3A_11 = tpu.memref_slice %arg4[%dma_wait3A, %dma_wait3A_10] : memref<100000x64xf32, #tpu.memory_space<hbm>> -> memref<100000x64xf32, #tpu.memory_space<hbm>>
    tpu.wait_indirect_dma semaphore(%arg15 : memref<!tpu.dma_semaphore, #tpu.memory_space<semaphore_mem>>) src(%dma_wait3A_11 : memref<100000x64xf32, #tpu.memory_space<hbm>>) dst(%arg12 : memref<128x64xf32, #tpu.memory_space<vmem>>)
    %dma_wait3A_12 = arith.constant 0 : i32
    %dma_wait3A_13 = arith.constant 0 : i32
    %dma_wait3A_14 = tpu.memref_slice %arg5[%dma_wait3A_12, %dma_wait3A_13] : memref<100000x64xf32, #tpu.memory_space<hbm>> -> memref<100000x64xf32, #tpu.memory_space<hbm>>
    tpu.wait_indirect_dma semaphore(%arg15 : memref<!tpu.dma_semaphore, #tpu.memory_space<semaphore_mem>>) src(%dma_wait3A_14 : memref<100000x64xf32, #tpu.memory_space<hbm>>) dst(%arg13 : memref<128x64xf32, #tpu.memory_space<vmem>>)
    %dma_wait3A_15 = arith.constant 0 : i32
    %dma_wait3A_16 = tpu.memref_slice %arg6[%dma_wait3A_15] : memref<100000xf32, #tpu.memory_space<hbm>> -> memref<100000xf32, #tpu.memory_space<hbm>>
    tpu.wait_indirect_dma semaphore(%arg15 : memref<!tpu.dma_semaphore, #tpu.memory_space<semaphore_mem>>) src(%dma_wait3A_16 : memref<100000xf32, #tpu.memory_space<hbm>>) dst(%arg14 : memref<128xf32, #tpu.memory_space<vmem>>)
    "tpu.region"() ({
      %run_scoped3A = tpu.sem_alloc : memref<!tpu.dma_semaphore, #tpu.memory_space<semaphore_mem>>
      %dma_start3A_17 = arith.constant 0 : i32
      %dma_start3A_18 = tpu.memref_slice %arg7[%mul3A_2, %dma_start3A_17] : memref<4096x64xf32, #tpu.memory_space<hbm>> -> memref<128x64xf32, #tpu.memory_space<hbm>>
      %dma_start3A_19 = arith.constant 0 : i32
      %dma_start3A_20 = tpu.memref_slice %arg7[%mul3A_2, %dma_start3A_19] : memref<4096x64xf32, #tpu.memory_space<hbm>> -> memref<128x64xf32, #tpu.memory_space<hbm>>
      tpu.enqueue_dma source(%arg12 : memref<128x64xf32, #tpu.memory_space<vmem>>) target(%dma_start3A_20 : memref<128x64xf32, #tpu.memory_space<hbm>>) target_semaphore(%run_scoped3A : memref<!tpu.dma_semaphore, #tpu.memory_space<semaphore_mem>>)
      %dma_wait3A_21 = arith.constant 0 : i32
      %dma_wait3A_22 = tpu.memref_slice %arg7[%mul3A_2, %dma_wait3A_21] : memref<4096x64xf32, #tpu.memory_space<hbm>> -> memref<128x64xf32, #tpu.memory_space<hbm>>
      %dma_wait3A_23 = arith.constant 0 : i32
      %dma_wait3A_24 = tpu.memref_slice %arg7[%mul3A_2, %dma_wait3A_23] : memref<4096x64xf32, #tpu.memory_space<hbm>> -> memref<128x64xf32, #tpu.memory_space<hbm>>
      tpu.wait_dma2 semaphore(%run_scoped3A : memref<!tpu.dma_semaphore, #tpu.memory_space<semaphore_mem>>) src(%arg12 : memref<128x64xf32, #tpu.memory_space<vmem>>) dst(%dma_wait3A_24 : memref<128x64xf32, #tpu.memory_space<hbm>>)
      tpu.yield
    }) : () -> ()
    "tpu.region"() ({
      %run_scoped3A = tpu.sem_alloc : memref<!tpu.dma_semaphore, #tpu.memory_space<semaphore_mem>>
      %dma_start3A_17 = arith.constant 0 : i32
      %dma_start3A_18 = tpu.memref_slice %arg8[%mul3A_2, %dma_start3A_17] : memref<4096x64xf32, #tpu.memory_space<hbm>> -> memref<128x64xf32, #tpu.memory_space<hbm>>
      %dma_start3A_19 = arith.constant 0 : i32
      %dma_start3A_20 = tpu.memref_slice %arg8[%mul3A_2, %dma_start3A_19] : memref<4096x64xf32, #tpu.memory_space<hbm>> -> memref<128x64xf32, #tpu.memory_space<hbm>>
      tpu.enqueue_dma source(%arg13 : memref<128x64xf32, #tpu.memory_space<vmem>>) target(%dma_start3A_20 : memref<128x64xf32, #tpu.memory_space<hbm>>) target_semaphore(%run_scoped3A : memref<!tpu.dma_semaphore, #tpu.memory_space<semaphore_mem>>)
      %dma_wait3A_21 = arith.constant 0 : i32
      %dma_wait3A_22 = tpu.memref_slice %arg8[%mul3A_2, %dma_wait3A_21] : memref<4096x64xf32, #tpu.memory_space<hbm>> -> memref<128x64xf32, #tpu.memory_space<hbm>>
      %dma_wait3A_23 = arith.constant 0 : i32
      %dma_wait3A_24 = tpu.memref_slice %arg8[%mul3A_2, %dma_wait3A_23] : memref<4096x64xf32, #tpu.memory_space<hbm>> -> memref<128x64xf32, #tpu.memory_space<hbm>>
      tpu.wait_dma2 semaphore(%run_scoped3A : memref<!tpu.dma_semaphore, #tpu.memory_space<semaphore_mem>>) src(%arg13 : memref<128x64xf32, #tpu.memory_space<vmem>>) dst(%dma_wait3A_24 : memref<128x64xf32, #tpu.memory_space<hbm>>)
      tpu.yield
    }) : () -> ()
    "tpu.region"() ({
      %run_scoped3A = tpu.sem_alloc : memref<!tpu.dma_semaphore, #tpu.memory_space<semaphore_mem>>
      %dma_start3A_17 = tpu.memref_slice %arg9[%mul3A_2] : memref<4096xf32, #tpu.memory_space<hbm>> -> memref<128xf32, #tpu.memory_space<hbm>>
      %dma_start3A_18 = tpu.memref_slice %arg9[%mul3A_2] : memref<4096xf32, #tpu.memory_space<hbm>> -> memref<128xf32, #tpu.memory_space<hbm>>
      tpu.enqueue_dma source(%arg14 : memref<128xf32, #tpu.memory_space<vmem>>) target(%dma_start3A_18 : memref<128xf32, #tpu.memory_space<hbm>>) target_semaphore(%run_scoped3A : memref<!tpu.dma_semaphore, #tpu.memory_space<semaphore_mem>>)
      %dma_wait3A_19 = tpu.memref_slice %arg9[%mul3A_2] : memref<4096xf32, #tpu.memory_space<hbm>> -> memref<128xf32, #tpu.memory_space<hbm>>
      %dma_wait3A_20 = tpu.memref_slice %arg9[%mul3A_2] : memref<4096xf32, #tpu.memory_space<hbm>> -> memref<128xf32, #tpu.memory_space<hbm>>
      tpu.wait_dma2 semaphore(%run_scoped3A : memref<!tpu.dma_semaphore, #tpu.memory_space<semaphore_mem>>) src(%arg14 : memref<128xf32, #tpu.memory_space<vmem>>) dst(%dma_wait3A_20 : memref<128xf32, #tpu.memory_space<hbm>>)
      tpu.yield
    }) : () -> ()
    return
  }
}

module attributes {stable_mosaic.version = 14 : i64} {
  func.func @_loss_body(%arg0: memref<4096x64xf32, #tpu.memory_space<vmem>>, %arg1: memref<4096x64xf32, #tpu.memory_space<vmem>>, %arg2: memref<4096x1xf32, #tpu.memory_space<vmem>>, %arg3: memref<4096x1xf32, #tpu.memory_space<vmem>>, %arg4: memref<1x1xf32, #tpu.memory_space<vmem>>) attributes {dimension_semantics = [], scalar_prefetch = 0 : i64, scratch_operands = 0 : i64, tpu.core_type = #tpu.core_type<tc>} {
    %get3A = arith.constant 0 : index
    %get3A_0 = arith.constant 0 : index
    %get3A_1 = vector.load %arg0[%get3A, %get3A_0] : memref<4096x64xf32, #tpu.memory_space<vmem>>, vector<4096x64xf32>
    %get3A_2 = arith.constant 0 : index
    %get3A_3 = arith.constant 0 : index
    %get3A_4 = vector.load %arg1[%get3A_2, %get3A_3] : memref<4096x64xf32, #tpu.memory_space<vmem>>, vector<4096x64xf32>
    %get3A_5 = arith.constant 0 : index
    %get3A_6 = arith.constant 0 : index
    %get3A_7 = vector.load %arg2[%get3A_5, %get3A_6] : memref<4096x1xf32, #tpu.memory_space<vmem>>, vector<4096x1xf32>
    %get3A_8 = arith.constant 0 : index
    %get3A_9 = arith.constant 0 : index
    %get3A_10 = vector.load %arg3[%get3A_8, %get3A_9] : memref<4096x1xf32, #tpu.memory_space<vmem>>, vector<4096x1xf32>
    %reduce_sum3A = arith.constant dense<0.000000e+00> : vector<64xf32>
    %reduce_sum3A_11 = vector.multi_reduction <add>, %get3A_4, %reduce_sum3A [0] : vector<4096x64xf32> to vector<64xf32>
    %broadcast_in_dim3A = vector.shape_cast %reduce_sum3A_11 : vector<64xf32> to vector<1x64xf32>
    %mul3A = vector.broadcast %broadcast_in_dim3A : vector<1x64xf32> to vector<4096x64xf32>
    %mul3A_12 = arith.mulf %get3A_1, %mul3A : vector<4096x64xf32>
    %reduce_sum3A_13 = arith.constant dense<0.000000e+00> : vector<4096xf32>
    %reduce_sum3A_14 = vector.multi_reduction <add>, %mul3A_12, %reduce_sum3A_13 [1] : vector<4096x64xf32> to vector<4096xf32>
    %broadcast_in_dim3A_15 = vector.shape_cast %reduce_sum3A_14 : vector<4096xf32> to vector<4096x1xf32>
    %add3A = arith.addf %broadcast_in_dim3A_15, %get3A_7 : vector<4096x1xf32>
    %max3A = arith.constant 0.000000e+00 : f32
    %max3A_16 = vector.broadcast %max3A : f32 to vector<4096x1xf32>
    %max3A_17 = arith.maximumf %add3A, %max3A_16 : vector<4096x1xf32>
    %mul3A_18 = arith.mulf %add3A, %get3A_10 : vector<4096x1xf32>
    %sub3A = arith.subf %max3A_17, %mul3A_18 : vector<4096x1xf32>
    %abs3A = math.absf %add3A : vector<4096x1xf32>
    %neg3A = arith.constant 0.000000e+00 : f32
    %neg3A_19 = vector.broadcast %neg3A : f32 to vector<4096x1xf32>
    %neg3A_20 = arith.subf %neg3A_19, %abs3A : vector<4096x1xf32>
    %exp3A = math.exp %neg3A_20 : vector<4096x1xf32>
    %log1p3A = math.log1p %exp3A : vector<4096x1xf32>
    %add3A_21 = arith.addf %sub3A, %log1p3A : vector<4096x1xf32>
    %reduce_sum3A_22 = vector.shape_cast %add3A_21 : vector<4096x1xf32> to vector<1x4096x1xf32>
    %reduce_sum3A_23 = arith.constant dense<0.000000e+00> : vector<1xf32>
    %reduce_sum3A_24 = vector.multi_reduction <add>, %reduce_sum3A_22, %reduce_sum3A_23 [1, 2] : vector<1x4096x1xf32> to vector<1xf32>
    %reduce_sum3A_25 = vector.shape_cast %reduce_sum3A_24 : vector<1xf32> to vector<1x1x1xf32>
    %reduce_sum3A_26 = vector.extract %reduce_sum3A_25[0, 0, 0] : f32 from vector<1x1x1xf32>
    %div3A = arith.constant 4.096000e+03 : f32
    %div3A_27 = arith.divf %reduce_sum3A_26, %div3A : f32
    %mul3A_28 = arith.mulf %get3A_4, %get3A_4 : vector<4096x64xf32>
    %reduce_sum3A_29 = vector.shape_cast %mul3A_28 : vector<4096x64xf32> to vector<1x4096x64xf32>
    %reduce_sum3A_30 = arith.constant dense<0.000000e+00> : vector<1xf32>
    %reduce_sum3A_31 = vector.multi_reduction <add>, %reduce_sum3A_29, %reduce_sum3A_30 [1, 2] : vector<1x4096x64xf32> to vector<1xf32>
    %reduce_sum3A_32 = vector.shape_cast %reduce_sum3A_31 : vector<1xf32> to vector<1x1x1xf32>
    %reduce_sum3A_33 = vector.extract %reduce_sum3A_32[0, 0, 0] : f32 from vector<1x1x1xf32>
    %sqrt3A = math.sqrt %reduce_sum3A_33 : f32
    %mul3A_34 = arith.mulf %get3A_1, %get3A_1 : vector<4096x64xf32>
    %reduce_sum3A_35 = vector.shape_cast %mul3A_34 : vector<4096x64xf32> to vector<1x4096x64xf32>
    %reduce_sum3A_36 = arith.constant dense<0.000000e+00> : vector<1xf32>
    %reduce_sum3A_37 = vector.multi_reduction <add>, %reduce_sum3A_35, %reduce_sum3A_36 [1, 2] : vector<1x4096x64xf32> to vector<1xf32>
    %reduce_sum3A_38 = vector.shape_cast %reduce_sum3A_37 : vector<1xf32> to vector<1x1x1xf32>
    %reduce_sum3A_39 = vector.extract %reduce_sum3A_38[0, 0, 0] : f32 from vector<1x1x1xf32>
    %sqrt3A_40 = math.sqrt %reduce_sum3A_39 : f32
    %add3A_41 = arith.addf %sqrt3A, %sqrt3A_40 : f32
    %mul3A_42 = arith.mulf %get3A_7, %get3A_7 : vector<4096x1xf32>
    %reduce_sum3A_43 = vector.shape_cast %mul3A_42 : vector<4096x1xf32> to vector<1x4096x1xf32>
    %reduce_sum3A_44 = arith.constant dense<0.000000e+00> : vector<1xf32>
    %reduce_sum3A_45 = vector.multi_reduction <add>, %reduce_sum3A_43, %reduce_sum3A_44 [1, 2] : vector<1x4096x1xf32> to vector<1xf32>
    %reduce_sum3A_46 = vector.shape_cast %reduce_sum3A_45 : vector<1xf32> to vector<1x1x1xf32>
    %reduce_sum3A_47 = vector.extract %reduce_sum3A_46[0, 0, 0] : f32 from vector<1x1x1xf32>
    %sqrt3A_48 = math.sqrt %reduce_sum3A_47 : f32
    %add3A_49 = arith.addf %add3A_41, %sqrt3A_48 : f32
    %mul3A_50 = arith.constant 1.000000e-01 : f32
    %mul3A_51 = arith.mulf %mul3A_50, %add3A_49 : f32
    %add3A_52 = arith.addf %div3A_27, %mul3A_51 : f32
    %broadcast_in_dim3A_53 = vector.broadcast %add3A_52 : f32 to vector<1x1xf32>
    %swap3A = arith.constant 0 : index
    %swap3A_54 = arith.constant 0 : index
    %swap3A_55 = vector.load %arg4[%swap3A, %swap3A_54] : memref<1x1xf32, #tpu.memory_space<vmem>>, vector<1x1xf32>
    tpu.vector_store %arg4[%swap3A, %swap3A_54], %broadcast_in_dim3A_53 {strides = array<i32>} : memref<1x1xf32, #tpu.memory_space<vmem>>, vector<1x1xf32>,
    return
  }
}

</mosaic_0001>

<sc_bundles>
// kernel: kernel.4.cloned.1.call-start
scs
__scs_entry_jumppad:
0x0: {  	(pc) =	sbr.rel $0x88, $3  }
0x1: {  	(tag) =	ssettag $0x0;
	lr =	simm.s32 $0x1  }
0x2: {  	[smem:$0x3F9B] =	sst lr;
	_ =	strace $0xD0000000  }
0x3: {  	_ = 	snop  }
0x4: {  	_ = 	snop  }
0x5: {  	_ = 	snop  }
0x6: {  	_ = 	snop  }
0x7: {  	_ = 	snop  }
__scs_overlays_trampoline_lowered:
0x8: {  	[smem:$0x3FAA] =	sst s0  }
0x9: {  	[smem:$0x3FAB] =	sst s1  }
0xa: {  	[smem:$0x3FAC] =	sst s2  }
0xb: {  	[smem:$0x3FAD] =	sst s3  }
0xc: {  	[smem:$0x3FAE] =	sst s4  }
0xd: {  	[smem:$0x3FAF] =	sst s5  }
0xe: {  	[smem:$0x3FB0] =	sst s6  }
0xf: {  	[smem:$0x3FB1] =	sst s7  }
0x10: {  	[smem:$0x3FB2] =	sst s8  }
0x11: {  	[smem:$0x3FB3] =	sst s9;
	s0 =	simm.s32 @!p0 $0x0  }
0x12: {  	s1 =	sld [smem:$0x3F99];
	s0 =	simm.s32 @p0 $0x1  }
0x13: {  	[smem:$0x3FB4] =	sst s0;
	s0 =	simm.s32 @!p1 $0x0  }
0x14: {  	s2 =	sld [smem:$0x3F98];
	s0 =	simm.s32 @p1 $0x1  }
0x15: {  	[smem:$0x3FB5] =	sst s0;
	s0 =	simm.s32 @!p2 $0x0  }
0x16: {  	s3 =	sld [smem:$0x3FDB];
	s0 =	simm.s32 @p2 $0x1  }
0x17: {  	s4 =	simm.s32 $0x1BF5;
	[smem:$0x3FB7] =	sst s0  }
0x18: {  	s0 =	sld [smem:$0x3F9A];
	_ =	swait.ge [sflag:s4], $0x0  }
0x19: {  	s7 =	sld [smem:$0x3F9B]  }
0x1a: {  	s8 =	sadd.s32 $0xFFFFE003, lr  }
0x1b: {  	s9 =	sadd.s32 $0xFFFFFEF7, lr;
	s5 =	simm.s32 $0xFFFFFFFF;
	p2 =	slt.u32 s8, $0xFFFFF086  }
0x1c: {  	p1 =	slt.u32 s9, $0xF7A;
	s5 =	simm.s32 @!p2 $0x0  }
0x1d: {  	s5 =	simm.s32 @p1 $0x1;
	p0 =	seq.s32 s7, s2  }
0x1e: {  	s7 =	smul.u32 @!p0 $0xF7A, s2;
	p2 =	seq.s32 @!p0 s5, $0x0  }
0x1f: {  	s9 =	smul.u32 $0xF7A, s1;
	s8 =	simm.s32 @!p0 $0x1BF5;
	p2 =	por !p2, p0  }
0x20: {  	[sflag:s8] =	ssyncset.s32 @!p0 $0xFFFFF086;
	s6 =	sadd.s32 @!p0 s3, s7;
	s7 =	simm.s32 @!p0 $0x108  }
0x21: {  	s3 =	sadd.s32 s3, s9;
	s6 =	sadd.s32 @!p0 $0x88, s6;
	s7 =	simm.s32 @p2 $0x1082  }
0x22: {  	[simem:s7], [sflag:s8] =	dma.local @!p0 [hbm:s6], $0xF7A  }
0x23: {  	s9 =	sor.u32 $0xD0000000, s2;
	s6 =	simm.s32 $0x108;
	_ =	swait.ge @!p0 [sflag:s8], $0x0  }
0x24: {  	s3 =	sadd.s32 $0x88, s3;
	s6 =	simm.s32 @!p1 $0x1082;
	[sflag:s4] =	ssyncset.s32 $0xFFFFF086  }
0x25: {  	[simem:s6], [sflag:s4] =	dma.local [hbm:s3], $0xF7A  }
0x26: {  	[smem:$0x3F9B] =	sst s1;
	(tag) =	ssettag s2;
	_ =	strace s9  }
0x27: {  	s1 =	sld [smem:$0x3FAB]  }
0x28: {  	s2 =	sld [smem:$0x3FAC]  }
0x29: {  	s4 =	sld [smem:$0x3FAE]  }
0x2a: {  	p0 =	seq.s32 s5, $0x0;
	s5 =	sld [smem:$0x3FAF]  }
0x2b: {  	s6 =	sld [smem:$0x3FB0]  }
0x2c: {  	s7 =	sld [smem:$0x3FB1]  }
0x2d: {  	s3 =	simm.s32 $0x108;
	s8 =	sld [smem:$0x3FB2]  }
0x2e: {  	s3 =	simm.s32 @!p0 $0x1082;
	s9 =	sld [smem:$0x3FB3]  }
0x2f: {  	lr =	sadd.s32 s0, s3;
	s0 =	sld [smem:$0x3FAA]  }
0x30: {  	s3 =	sld [smem:$0x3FAD]  }
0x31: {  	[smem:$0x3FB6] =	sst s10  }
0x32: {  	s10 =	sld [smem:$0x3FB4];
	_ =	sdelay $0x3  }
0x33: {  	p0 =	seq.s32 s10, $0x1;
	s10 =	sld [smem:$0x3FB6];
	_ =	sdelay $0x3  }
0x34: {  	[smem:$0x3FB6] =	sst s10  }
0x35: {  	s10 =	sld [smem:$0x3FB5];
	_ =	sdelay $0x3  }
0x36: {  	p1 =	seq.s32 s10, $0x1;
	s10 =	sld [smem:$0x3FB6];
	_ =	sdelay $0x3  }
0x37: {  	[smem:$0x3FB6] =	sst s10  }
0x38: {  	s10 =	sld [smem:$0x3FB7]  }
0x39: {  	_ = 	snop;
	(pc) =	sbr.ind lr, $3  }
0x3a: {  	_ = 	snop  }
0x3b: {  	_ = 	snop  }
0x3c: {  	p2 =	seq.s32 s10, $0x1;
	s10 =	sld [smem:$0x3FB6]  }
0x3d: {  	_ =	shalt  }
0x3e: {  	_ =	shalt  }
0x3f: {  	_ =	shalt  }
0x40: {  	_ =	shalt  }
0x41: {  	_ =	shalt  }
0x42: {  	_ =	shalt  }
0x43: {  	_ =	shalt  }
0x44: {  	_ =	shalt  }
0x45: {  	_ =	shalt  }
0x46: {  	_ =	shalt  }
0x47: {  	_ =	shalt  }
0x48: {  	_ =	shalt  }
0x49: {  	_ =	shalt  }
0x4a: {  	_ =	shalt  }
0x4b: {  	_ =	shalt  }
0x4c: {  	_ =	shalt  }
0x4d: {  	_ =	shalt  }
0x4e: {  	_ =	shalt  }
0x4f: {  	_ =	shalt  }
0x50: {  	_ =	shalt  }
0x51: {  	_ =	shalt  }
0x52: {  	_ =	shalt  }
0x53: {  	_ =	shalt  }
0x54: {  	_ =	shalt  }
0x55: {  	_ =	shalt  }
0x56: {  	_ =	shalt  }
0x57: {  	_ =	shalt  }
0x58: {  	_ =	shalt  }
0x59: {  	_ =	shalt  }
0x5a: {  	_ =	shalt  }
0x5b: {  	_ =	shalt  }
0x5c: {  	_ =	shalt  }
0x5d: {  	_ =	shalt  }
0x5e: {  	_ =	shalt  }
0x5f: {  	_ =	shalt  }
0x60: {  	_ =	shalt  }
0x61: {  	_ =	shalt  }
0x62: {  	_ =	shalt  }
0x63: {  	_ =	shalt  }
0x64: {  	_ =	shalt  }
0x65: {  	_ =	shalt  }
0x66: {  	_ =	shalt  }
0x67: {  	_ =	shalt  }
0x68: {  	_ =	shalt  }
0x69: {  	_ =	shalt  }
0x6a: {  	_ =	shalt  }
0x6b: {  	_ =	shalt  }
0x6c: {  	_ =	shalt  }
0x6d: {  	_ =	shalt  }
0x6e: {  	_ =	shalt  }
0x6f: {  	_ =	shalt  }
0x70: {  	_ =	shalt  }
0x71: {  	_ =	shalt  }
0x72: {  	_ =	shalt  }
0x73: {  	_ =	shalt  }
0x74: {  	_ =	shalt  }
0x75: {  	_ =	shalt  }
0x76: {  	_ =	shalt  }
0x77: {  	_ =	shalt  }
0x78: {  	_ =	shalt  }
0x79: {  	_ =	shalt  }
0x7a: {  	_ =	shalt  }
0x7b: {  	_ =	shalt  }
0x7c: {  	_ =	shalt  }
0x7d: {  	_ =	shalt  }
0x7e: {  	_ =	shalt  }
0x7f: {  	_ =	shalt  }
0x80: {  	_ =	shalt  }
0x81: {  	_ =	shalt  }
0x82: {  	_ =	shalt  }
0x83: {  	_ =	shalt  }
0x84: {  	_ =	shalt  }
0x85: {  	_ =	shalt  }
0x86: {  	_ =	shalt  }
0x87: {  	_ =	shalt  }
.Lfunc_end0:
.L_simem_size_0:
called_computation_lowered:
.L_overlay_start_0:
0x88: {  	s2 =	sld [smem:$0x3FD9]  }
0x89: {  	s3 =	sld [smem:$0x3FFE];
	_ =	sdelay $0x1  }
0x8a: {  	s1 =	srdreg.scid  }
0x8b: {  	s0 =	sand.u32 $0x1, s1  }
0x8c: {  	s17 =	sshll.u32 s0, $0xA;
	s2 =	sadd.s32 s3, s2  }
0x8d: {  	s2 =	sadd.s32 s2, s17  }
0x8e: {  	[smem:$0x3FC2] =	sst s2  }
0x8f: {  	_ = 	snop  }
0x90: {  	s2 =	sld [smem:$0x3FC9]  }
0x91: {  	s18 =	sld [smem:$0x3FC8]  }
0x92: {  	s4 =	sld [smem:$0x3FC4];
	(tm) =	ssettm $0x1  }
0x93: {  	s5 =	sld [smem:$0x3FFB];
	_ =	sdelay $0x3  }
0x94: {  	_ =	strace s5  }
0x95: {  	s5 =	sld [smem:$0x3FFC];
	_ =	sdelay $0x3  }
0x96: {  	_ =	strace s5  }
0x97: {  	s5 =	sld [smem:$0x3FFD];
	_ =	sdelay $0x3  }
0x98: {  	_ =	strace s5  }
0x99: {  	_ =	strace $0x8FFFFFFF  }
0x9a: {  	s19 =	sld [smem:$0x3FDB];
	_ =	sdelay $0x1  }
0x9b: {  	s6 =	simm.s32 $_scs_section_size  }
0x9c: {  	s7 =	simm.s32 $_size__tile_overlayer_lowered;
	s8 =	simm.s32 $_tile_overlayer_lowered  }
0x9d: {  	s22 =	simm.s32 $0x1BFF;
	s21 =	sshll.u32 s8, $0x1;
	s5 =	sadd.s32 s6, s19  }
0x9e: {  	s9 =	simm.s32 $0x0;
	s20 =	sshll.u32 s7, $0x1;
	s7 =	sadd.s32 s21, s5  }
0x9f: {  	[timem:s9], [sflag:s22] =	dma.local [hbm:s7], s20  }
0xa0: {  	_ =	swait.ge [sflag:s22], s20  }
0xa1: {  	s6 =	ssub.s32 $0x0, s20;
	[sflag:s22] =	ssyncset.done $0x0  }
0xa2: {  	[sflag:s22] =	ssyncadd.s32 s6;
	_ =	sdelay $0x1  }
0xa3: {  	s23 =	simm.s32 $0x1B8B  }
0xa4: {  	_ =	swait.ge [sflag:s23], $0x1  }
0xa5: {  	[sflag:s23] =	ssyncset.done $0x0  }
0xa6: {  	s25 =	simm.s32 $0x1B8E;
	s24 =	sld [smem:$0x3FFE];
	[sflag:s23] =	ssyncadd.s32 $0xFFFFFFFF  }
0xa7: {  	s26 =	simm.s32 $execute0_lowered;
	[smem:$0x3FD2] =	sst s25  }
0xa8: {  	s7 =	sshll.u32 s26, $0x1;
	_ =	strace $0x80000046;
	[dreg:$0x1] =	wrdreg $0xFFFFFFFF  }
0xa9: {  	s28 =	simm.s32 $_size_execute0_lowered;
	s5 =	sadd.s32 s5, s7;
	[dreg:$0x0] =	wrdreg $0x0  }
0xaa: {  	s7 =	sshll.u32 s28, $0x1;
	[dreg:$0x2] =	wrdreg s5  }
0xab: {  	[dreg:$0x3] =	wrdreg s7  }
0xac: {  	[dreg:$0x4] =	wrdreg $0xC0  }
0xad: {  	_ =	task [dreg:s9], $0x5FFFF  }
0xae: {  	[dreg:$0x1] =	wrdreg $0xFFFFFFFF  }
0xaf: {  	[dreg:$0x0] =	wrdreg $0x60  }
0xb0: {  	[dreg:$0x2] =	wrdreg s2  }
0xb1: {  	[dreg:$0x3] =	wrdreg s18  }
0xb2: {  	[dreg:$0x4] =	wrdreg s24  }
0xb3: {  	[dreg:$0x5] =	wrdreg s4  }
0xb4: {  	[dreg:$0x6] =	wrdreg $0x9  }
0xb5: {  	_ =	task.clear_ibuf [dreg:s9], $0x7FFFF;
	_ =	strace $0x90000046  }
0xb6: {  	s29 =	simm.s32 $0x9;
	_ =	strace $0x80000048  }
0xb7: {  	_ =	swait.ge [sflag:s29], $0x1  }
0xb8: {  	[sflag:s29] =	ssyncadd.s32 $0xFFFFFFFF  }
0xb9: {  	_ =	strace $0x90000048  }
0xba: {  	_ =	sfence  }
0xbb: {  	s30 =	sld [smem:$0x0];
	_ =	sdelay $0x2  }
0xbc: {  	s31 =	sshll.u32 s1, $0xD;
	s1 =	sshrl.u32 s1, $0x2  }
0xbd: {  	s3 =	sand.u32 $0x4000, s31;
	s1 =	sadd.s32 s1, s30  }
0xbe: {  	s0 =	sor.u32 s3, s0;
	s1 =	sshll.u32 s1, $0x11  }
0xbf: {  	s0 =	sor.u32 s1, s0  }
0xc0: {  	s0 =	sadd.s32 $0x8F2B, s0  }
0xc1: {  	[sflag:s0] =	ssyncadd.remote.s32 $0x1  }
0xc2: {  	_ =	sfence.sel $0xFFFF  }
0xc3: {  	[dreg:$0x0] =	wrdreg $0xFFFFFFFF;
	(pc) =	sbr.abs _section_cstart, $3  }
0xc4: {  	[dreg:$0x1] =	wrdreg $0xFFFFFFFF  }
0xc5: {  	_ =	task.clear_ibuf [dreg:s9], $0x2FFFF;
	_ =	strace $0x9FFFFFFF  }
0xc6: {  	(tm) =	ssettm $0x7FFFFFFF  }
0xc7: {  	_ =	shalt  }
tec
execute0_lowered:
.L_overlay_start_1:
0x0: {  	(tag) =	ssettag $0x1  }
0x1: {  	s4 =	rddreg [dreg:$0x0]  }
0x2: {  	s6 =	rddreg [dreg:$0x1];
	s1 =	srdreg.scid  }
0x3: {  	s16 =	rddreg [dreg:$0x2];
	s0 =	stileid.u32;
	s15 =	sand.u32 $0x1, s1  }
0x4: {  	s2 =	rddreg [dreg:$0x3];
	s5 =	sshll.u32 s0, $0x8;
	s7 =	sshll.u32 s15, $0x7  }
0x5: {  	s3 =	simm.s32 $0x0;
	s1 =	rddreg [dreg:$0x4];
	s14 =	sor.u32 s7, s5  }
0x6: {  	[smem:$0x7FF] =	sst s3;
	s17 =	sshrl.u32 s14, $0x3  }
0x7: {  	_ =	strace $0x80000047;
	s5 =	sadd.s32 s4, s17;
	s4 =	simm.s32 $0x2  }
0x8: {  	[tilespmem:s3], [sflag:$0x2] =	stream.linear.gather [hbm4b:s5+s3], $0x80, $0x38;
	[tilespmem:$0x4180] =	vst v63  }
0x9: {  	_ =	swait.ge [sflag:s4], $0x80  }
0xa: {  	[sflag:s4] =	ssyncset.done $0x0  }
0xb: {  	s7 =	simm.s32 $0x80;
	s6 =	sadd.s32 s6, s17;
	[sflag:s4] =	ssyncadd.s32 $0xFFFFFF80  }
0xc: {  	[tilespmem:s7], [sflag:$0x2] =	stream.linear.gather [hbm4b:s6+s3], $0x80, $0x38;
	[tilespmem:$0x4180] =	vst v63  }
0xd: {  	_ =	swait.ge [sflag:s4], $0x80  }
0xe: {  	[sflag:s4] =	ssyncset.done $0x0  }
0xf: {  	s9 =	simm.s32 $0x100;
	s8 =	sadd.s32 $0x24C600, s16;
	[sflag:s4] =	ssyncadd.s32 $0xFFFFFF80  }
0x10: {  	[tilespmem:s9], [sflag:$0x1] =	stream.indirect.gather [hbm4b:s8+s7], $0x40, s3, s7, $0xb8;
	[tilespmem:$0x4180] =	vst v63  }
0x11: {  	s11 =	simm.s32 $0x2100;
	s10 =	sadd.s32 $0x189000, s16  }
0x12: {  	[tilespmem:s11], [sflag:$0x1] =	stream.indirect.gather [hbm4b:s10+s7], $0x40, s7, s7, $0xb8;
	[tilespmem:$0x4180] =	vst v63  }
0x13: {  	s12 =	simm.s32 $0x4100;
	s13 =	simm.s32 $0x1  }
0x14: {  	[tilespmem:s12], [sflag:$0x1] =	stream.indirect.gather [hbm4b:s2+s7], $0x1, s7, s7, $0xb8;
	[tilespmem:$0x4180] =	vst v63  }
0x15: {  	_ =	swait.ge [sflag:s13], $0x2000  }
0x16: {  	[sflag:s13] =	ssyncset.done $0x0  }
0x17: {  	[sflag:s13] =	ssyncadd.s32 $0xFFFFE000  }
0x18: {  	_ =	swait.ge [sflag:s13], $0x2000  }
0x19: {  	[sflag:s13] =	ssyncset.done $0x0  }
0x1a: {  	[sflag:s13] =	ssyncadd.s32 $0xFFFFE000  }
0x1b: {  	s14 =	sshll.u32 s14, $0x3;
	_ =	swait.ge [sflag:s13], $0x80  }
0x1c: {  	s18 =	sadd.s32 s14, s16;
	[sflag:s13] =	ssyncset.done $0x0  }
0x1d: {  	s19 =	ssub.s32 $0x2, s15;
	s14 =	sadd.s32 $0xA800, s18;
	[sflag:s13] =	ssyncadd.s32 $0xFFFFFF80  }
0x1e: {  	[hbm4b:s14+s3] =	stream.linear.scatter [tilespmem:s9], [sflag:$0x2], $0x2000, $0x38;
	[tilespmem:$0x4180] =	vst v63  }
0x1f: {  	s30 =	sshrl.u32 s19, $0x1;
	_ =	swait.ge [sflag:s4], $0x2000  }
0x20: {  	s31 =	ssub.s32 s19, s30;
	s16 =	sadd.s32 s17, s16;
	[sflag:s4] =	ssyncset.done $0x0  }
0x21: {  	s17 =	smax.u32 s31, $0x1;
	s15 =	sadd.s32 $0x2800, s18;
	[sflag:s4] =	ssyncadd.s32 $0xFFFFE000  }
0x22: {  	[hbm4b:s15+s3] =	stream.linear.scatter [tilespmem:s11], [sflag:$0x2], $0x2000, $0x38;
	[tilespmem:$0x4180] =	vst v63  }
0x23: {  	p0 =	sne.s32 s17, $0x1;
	_ =	swait.ge [sflag:s4], $0x2000  }
.Ltmp0:
0x24: {  	[sflag:s4] =	ssyncset.done $0x0;
	(pc) =	sbr.rel @!p0 .LBB2_2-.Ltmp0, $4  }
0x25: {  	s16 =	sadd.s32 $0x2600, s16;
	[sflag:s4] =	ssyncadd.s32 $0xFFFFE000  }
0x26: {  	[hbm4b:s16+s3] =	stream.linear.scatter [tilespmem:s12], [sflag:$0x2], $0x80, $0x38;
	[tilespmem:$0x4180] =	vst v63  }
0x27: {  	_ =	swait.ge [sflag:s4], $0x80  }
0x28: {  	s17 =	sadd.s32 $0xFFFFFFFF, s17;
	[sflag:s4] =	ssyncset.done $0x0  }
.LBB2_1:
0x29: {  	p0 =	sne.s32 s17, $0x1;
	s17 =	sadd.s32 $0xFFFFFFFF, s17;
	[sflag:s4] =	ssyncadd.s32 $0xFFFFFF80  }
0x2a: {  	[tilespmem:s3], [sflag:$0x2] =	stream.linear.gather [hbm4b:s5+s3], $0x80, $0x38;
	[tilespmem:$0x4180] =	vst v63  }
0x2b: {  	_ =	swait.ge [sflag:s4], $0x80  }
0x2c: {  	[sflag:s4] =	ssyncset.done $0x0  }
0x2d: {  	[sflag:s4] =	ssyncadd.s32 $0xFFFFFF80  }
0x2e: {  	[tilespmem:s7], [sflag:$0x2] =	stream.linear.gather [hbm4b:s6+s3], $0x80, $0x38;
	[tilespmem:$0x4180] =	vst v63  }
0x2f: {  	_ =	swait.ge [sflag:s4], $0x80  }
0x30: {  	[sflag:s4] =	ssyncset.done $0x0  }
0x31: {  	[sflag:s4] =	ssyncadd.s32 $0xFFFFFF80  }
0x32: {  	[tilespmem:s9], [sflag:$0x1] =	stream.indirect.gather [hbm4b:s8+s7], $0x40, s3, s7, $0xb8;
	[tilespmem:$0x4180] =	vst v63  }
0x33: {  	_ = 	snop  }
0x34: {  	[tilespmem:s11], [sflag:$0x1] =	stream.indirect.gather [hbm4b:s10+s7], $0x40, s7, s7, $0xb8;
	[tilespmem:$0x4180] =	vst v63  }
0x35: {  	_ = 	snop  }
0x36: {  	[tilespmem:s12], [sflag:$0x1] =	stream.indirect.gather [hbm4b:s2+s7], $0x1, s7, s7, $0xb8;
	[tilespmem:$0x4180] =	vst v63  }
0x37: {  	_ =	swait.ge [sflag:s13], $0x2000  }
0x38: {  	[sflag:s13] =	ssyncset.done $0x0  }
0x39: {  	[sflag:s13] =	ssyncadd.s32 $0xFFFFE000  }
0x3a: {  	_ =	swait.ge [sflag:s13], $0x2000  }
0x3b: {  	[sflag:s13] =	ssyncset.done $0x0  }
0x3c: {  	[sflag:s13] =	ssyncadd.s32 $0xFFFFE000  }
0x3d: {  	_ =	swait.ge [sflag:s13], $0x80  }
0x3e: {  	[sflag:s13] =	ssyncset.done $0x0  }
0x3f: {  	[sflag:s13] =	ssyncadd.s32 $0xFFFFFF80  }
0x40: {  	[hbm4b:s14+s3] =	stream.linear.scatter [tilespmem:s9], [sflag:$0x2], $0x2000, $0x38;
	[tilespmem:$0x4180] =	vst v63  }
0x41: {  	_ =	swait.ge [sflag:s4], $0x2000  }
0x42: {  	[sflag:s4] =	ssyncset.done $0x0  }
0x43: {  	[sflag:s4] =	ssyncadd.s32 $0xFFFFE000  }
0x44: {  	[hbm4b:s15+s3] =	stream.linear.scatter [tilespmem:s11], [sflag:$0x2], $0x2000, $0x38;
	[tilespmem:$0x4180] =	vst v63  }
0x45: {  	_ =	swait.ge [sflag:s4], $0x2000  }
.Ltmp1:
0x46: {  	[sflag:s4] =	ssyncset.done $0x0;
	(pc) =	sbr.rel @p0 .LBB2_1-.Ltmp1, $4  }
0x47: {  	[sflag:s4] =	ssyncadd.s32 $0xFFFFE000  }
0x48: {  	[hbm4b:s16+s3] =	stream.linear.scatter [tilespmem:s12], [sflag:$0x2], $0x80, $0x38;
	[tilespmem:$0x4180] =	vst v63  }
0x49: {  	_ =	swait.ge [sflag:s4], $0x80  }
0x4a: {  	[sflag:s4] =	ssyncset.done $0x0  }
.LBB2_2:
0x4b: {  	[sflag:s4] =	ssyncadd.s32 $0xFFFFFF80  }
0x4c: {  	_ =	sfence.sel $0x180000  }
0x4d: {  	[bflag:$0x0] =	sbarrier.arrive $0xFFFF  }
0x4e: {  	p0 =	sne.s32 s0, $0x0;
	_ =	strace $0x90000047  }
0x4f: {  	s0 =	sadd.s32 @!p0 $0x100000, s1;
	[bflag:$0x2] =	sbarrier.arrive $0xFFFF  }
0x50: {  	[sflag:s0] =	ssyncadd.tile.s32 @!p0 $0x1;
	_ =	shalt  }
.Lfunc_end2:
_tile_overlayer_lowered:
.L_overlay_start_2:
0x51: {  	(tag) =	ssettag $0x2  }
0x52: {  	s0 =	rddreg [dreg:$0x0];
	s2 =	stileid.u32  }
0x53: {  	s1 =	rddreg [dreg:$0x1];
	p0 =	sne.s32 s2, $0x0  }
0x54: {  	s3 =	rddreg [dreg:$0x2];
	[bflag:$0x3] =	sbarrier.arrive $0xFFFF;
	s2 =	simm.s32 @!p0 $0x1C02  }
0x55: {  	[timem:s3], [sflag:s2] =	dma.local @!p0 [hbm:s0], s1  }
0x56: {  	s0 =	simm.s32 @!p0 $0x2  }
0x57: {  	_ =	swait.ge @!p0 [sflag:s0], s1  }
0x58: {  	s1 =	ssub.s32 @!p0 $0x0, s1;
	[sflag:s0] =	ssyncset.done @!p0 $0x0  }
0x59: {  	[sflag:s0] =	ssyncadd.s32 @!p0 s1  }
0x5a: {  	[bflag:$0x3] =	sbarrier.arrive $0xFFFF  }
0x5b: {  	_ =	shalt  }

</sc_bundles>
